<compile_context>
chip_gen: v7x
topology: tpu7x:2x2x1
jax: 0.10.2.dev20260603
libtpu: 0.0.44.dev20260713+nightly
codegen_flags: <defaults>
</compile_context>

<pallas_src>
import jax
import jax.numpy as jnp
from jax import lax
from jax.experimental import pallas as pl
from jax.experimental.pallas import tpu as pltpu
from jax.experimental.pallas import tpu_sc as plsc

_T = 64
_K = 8
_E = 64
_LANES = 16
_ROW = 128

_CHUNK = 32
_NWORK = (_T * _K) // _CHUNK


_ZCHUNK = (_E * _ROW) // 16


def _routing_scatter_body(sel_hbm, rw_hbm, w_hbm,
                          sel_v, rw_v, idx_v, zero_v, w_sh):
    c = lax.axis_index("c")
    s = lax.axis_index("s")

    @pl.when(c == 0)
    def _zero():
        def zbody(i, carry):
            zero_v[pl.ds(i * _LANES, _LANES)] = jnp.zeros((_LANES,),
                                                          jnp.float32)
            return carry

        lax.fori_loop(0, _ZCHUNK // _LANES, zbody, 0)
        pltpu.sync_copy(zero_v, w_sh.at[pl.ds(s * _ZCHUNK, _ZCHUNK)])

    plsc.subcore_barrier()

    @pl.when((c == 0) & (s < _NWORK))
    def _scatter():
        base = s * _CHUNK
        pltpu.sync_copy(sel_hbm.at[pl.ds(base, _CHUNK)], sel_v)
        pltpu.sync_copy(rw_hbm.at[pl.ds(base, _CHUNK)], rw_v)

        lane = lax.broadcasted_iota(jnp.int32, (_LANES,), 0)
        lane_tok = jnp.where(lane >= _K, 1, 0)

        def idx_body(j, carry):
            off = j * _LANES
            sel = sel_v[pl.ds(off, _LANES)]
            t = (base + off) // _K + lane_tok
            idx_v[pl.ds(off, _LANES)] = sel * _ROW + t
            return carry

        lax.fori_loop(0, _CHUNK // _LANES, idx_body, 0)
        pltpu.sync_copy(rw_v, w_sh.at[idx_v], add=True)

    plsc.subcore_barrier()

    @pl.when((c == 0) & (s == 0))
    def _writeout():
        pltpu.sync_copy(w_sh, w_hbm)


def _routing_weights_sc(selected_experts, routing_weights):
    sel_flat = selected_experts.reshape(-1)
    rw_flat = routing_weights.reshape(-1)
    mesh = plsc.VectorSubcoreMesh(core_axis_name="c", subcore_axis_name="s",
                                  num_cores=1)
    w = pl.kernel(
        _routing_scatter_body,
        mesh=mesh,
        out_type=jax.ShapeDtypeStruct((_E * _ROW,), jnp.float32),
        scratch_types=[
            pltpu.VMEM((_CHUNK,), jnp.int32),
            pltpu.VMEM((_CHUNK,), jnp.float32),
            pltpu.VMEM((_CHUNK,), jnp.int32),
            pltpu.VMEM((_ZCHUNK,), jnp.float32),
            pltpu.VMEM_SHARED((_E * _ROW,), jnp.float32),
        ],
    )(sel_flat, rw_flat)
    return w.reshape(_E, _ROW)


def _moe_body(hidden_ref, ident_ref, w_ref, gate_ref, up_ref, down_ref,
              out_ref):
    e = pl.program_id(0)
    x = hidden_ref[...]
    g = jax.lax.dot_general(x, gate_ref[...], (((1,), (1,)), ((), ())),
                            preferred_element_type=jnp.float32)
    u = jax.lax.dot_general(x, up_ref[...], (((1,), (1,)), ((), ())),
                            preferred_element_type=jnp.float32)
    h = g * jax.nn.sigmoid(g) * u
    d = jax.lax.dot_general(h, down_ref[...], (((1,), (1,)), ((), ())),
                            preferred_element_type=jnp.float32)
    wrow = w_ref[pl.ds(e, 1), 0:_T]
    wcol = jax.lax.dot_general(ident_ref[...], wrow,
                               (((1,), (1,)), ((), ())),
                               preferred_element_type=jnp.float32)
    contrib = wcol * d

    @pl.when(e == 0)
    def _init():
        out_ref[...] = contrib

    @pl.when(e != 0)
    def _acc():
        out_ref[...] += contrib


def kernel(hidden_states, routing_weights, selected_experts, num_experts,
           gate_proj, up_proj, down_proj):
    T, H = hidden_states.shape
    E, I, _ = gate_proj.shape
    w = _routing_weights_sc(selected_experts, routing_weights)
    ident = jnp.eye(T, dtype=jnp.float32)
    return pl.pallas_call(
        _moe_body,
        grid=(E,),
        in_specs=[
            pl.BlockSpec((T, H), lambda e: (0, 0)),
            pl.BlockSpec((T, T), lambda e: (0, 0)),
            pl.BlockSpec((E, _ROW), lambda e: (0, 0)),
            pl.BlockSpec((None, I, H), lambda e: (e, 0, 0)),
            pl.BlockSpec((None, I, H), lambda e: (e, 0, 0)),
            pl.BlockSpec((None, H, I), lambda e: (e, 0, 0)),
        ],
        out_specs=pl.BlockSpec((T, H), lambda e: (0, 0)),
        out_shape=jax.ShapeDtypeStruct((T, H), jnp.float32),
    )(hidden_states, ident, w, gate_proj, up_proj, down_proj)

# --- scband reference (transcript-rebuilt; emitter-appended) ---
"""Pipeline reference for scband-qwen3-omni-moe-thinker-experts-13305808683651 (READ-ONLY COPY).

The authoritative reference and input builder live on the scoring server;
editing this copy changes nothing except your own understanding.
"""

import jax, jax.numpy as jnp
import numpy as np

NUM_EXPERTS = 64
TOP_K = 8
HIDDEN = 1024
INTER = 768
TOKENS = 64


def setup_inputs(seed: int = 0) -> dict:
    key = jax.random.key(seed)
    k0, k1, k2, k3, k4, k5 = jax.random.split(key, 6)
    hidden_states = jax.random.normal(k0, (TOKENS, HIDDEN), dtype=jnp.float32)
    routing_weights = jax.random.uniform(k1, (TOKENS, TOP_K), dtype=jnp.float32)
    routing_weights = routing_weights / jnp.sum(routing_weights, axis=-1, keepdims=True)
    selected_experts = jax.random.randint(k2, (TOKENS, TOP_K), 0, NUM_EXPERTS, dtype=jnp.int32)
    gate_proj = jax.random.normal(k3, (NUM_EXPERTS, INTER, HIDDEN), dtype=jnp.float32) * 0.02
    up_proj = jax.random.normal(k4, (NUM_EXPERTS, INTER, HIDDEN), dtype=jnp.float32) * 0.02
    down_proj = jax.random.normal(k5, (NUM_EXPERTS, HIDDEN, INTER), dtype=jnp.float32) * 0.02
    return {
        'hidden_states': hidden_states,
        'routing_weights': routing_weights,
        'selected_experts': selected_experts,
        'num_experts': NUM_EXPERTS,
        'gate_proj': gate_proj,
        'up_proj': up_proj,
        'down_proj': down_proj,
    }


def reference(hidden_states, routing_weights, selected_experts, num_experts, gate_proj, up_proj, down_proj):
    # Fused MoE forward: per (token, k) pair, run SwiGLU expert MLP of
    # selected_experts[t, k] on hidden_states[t], scale by routing_weights[t, k],
    # and sum over k. Computed densely over all experts (tokens not routed to an
    # expert receive weight 0), which is mathematically identical.
    E = gate_proj.shape[0]
    classes = jnp.arange(E, dtype=selected_experts.dtype)
    expert_mask = (
        (selected_experts[..., None] == classes)
        & (classes < num_experts)
    ).astype(routing_weights.dtype)  # [T, K, E]
    token_weights = jnp.einsum('tke,tk->et', expert_mask, routing_weights)  # [E, T]
    g = jnp.einsum('th,eih->eti', hidden_states, gate_proj)  # [E, T, I]
    u = jnp.einsum('th,eih->eti', hidden_states, up_proj)    # [E, T, I]
    h = jax.nn.silu(g) * u                                   # act_fn = silu (SwiGLU)
    d = jnp.einsum('eti,ehi->eth', h, down_proj)             # [E, T, H]
    out = jnp.einsum('et,eth->th', token_weights, d)         # [T, H]
    return out

if __name__ == "__main__":
    import jax
    _d = setup_inputs()
    print(jax.jit(kernel)(*tuple(_d.values())))

</pallas_src>

<mosaic_0001>
#map = affine_map<(d0, d1) -> (0)>
module attributes {stable_mosaic.version = 14 : i64} {
  func.func @_routing_scatter_body(%arg0: i32, %arg1: i32, %arg2: memref<512xi32, #tpu.memory_space<hbm>>, %arg3: memref<512xf32, #tpu.memory_space<hbm>>, %arg4: memref<8192xf32, #tpu.memory_space<hbm>>, %arg5: memref<32xi32, #tpu.memory_space<vmem>>, %arg6: memref<32xf32, #tpu.memory_space<vmem>>, %arg7: memref<32xi32, #tpu.memory_space<vmem>>, %arg8: memref<512xf32, #tpu.memory_space<vmem>>, %arg9: memref<8192xf32, #tpu.memory_space<vmem_shared>>) attributes {dimension_semantics = [#tpu.dimension_semantics<core_parallel>, #tpu.dimension_semantics<subcore_parallel>], iteration_bounds = array<i64: 1, 16>, scalar_prefetch = 0 : i64, scratch_operands = 5 : i64, tpu.core_type = #tpu.core_type<sc_vector_subcore>, window_params = [{transform_indices = #map}, {transform_indices = #map}, {transform_indices = #map}]} {
    %eq3A = arith.constant 0 : i32
    %eq3A_0 = arith.cmpi eq, %arg0, %eq3A : i32
    %convert_element_type3A = arith.extui %eq3A_0 : i1 to i32
    %cond3A = arith.constant 0 : i32
    %cond3A_1 = arith.cmpi ne, %convert_element_type3A, %cond3A : i32
    scf.if %cond3A_1 {
      %scan3A = arith.constant 0 : i32
      %scan3A_17 = arith.constant 0 : i32
      %scan3A_18 = arith.constant 32 : i32
      %scan3A_19 = arith.addi %scan3A_17, %scan3A_18 : i32
      %scan3A_20 = arith.constant 1 : i32
      scf.for %scan3A_23 = %scan3A_17 to %scan3A_19 step %scan3A_20  : i32 {
        %broadcast_in_dim3A = arith.constant 0.000000e+00 : f32
        %broadcast_in_dim3A_24 = vector.broadcast %broadcast_in_dim3A : f32 to vector<16xf32>
        %mul3A_25 = arith.constant 16 : i32
        %mul3A_26 = arith.muli %scan3A_23, %mul3A_25 : i32
        %swap3A = arith.index_cast %mul3A_26 : i32 to index
        %swap3A_27 = tpu.vector_load %arg8[%swap3A] {strides = array<i32>} : memref<512xf32, #tpu.memory_space<vmem>>, vector<16xf32>,
        %swap3A_28 = vector.shape_cast %swap3A_27 : vector<16xf32> to vector<16xf32>
        %swap3A_29 = vector.shape_cast %broadcast_in_dim3A_24 : vector<16xf32> to vector<16xf32>
        tpu.vector_store %arg8[%swap3A], %swap3A_29 {strides = array<i32>} : memref<512xf32, #tpu.memory_space<vmem>>, vector<16xf32>,
      }
      %scan3A_21 = arith.constant 32 : i32
      %mul3A = arith.constant 512 : i32
      %mul3A_22 = arith.muli %arg1, %mul3A : i32
      "tpu.region"() ({
        %run_scoped3A = tpu.sem_alloc : memref<!tpu.dma_semaphore, #tpu.memory_space<semaphore_mem>>
        %dma_start3A = tpu.memref_slice %arg9[%mul3A_22] : memref<8192xf32, #tpu.memory_space<vmem_shared>> -> memref<512xf32, #tpu.memory_space<vmem_shared>>
        %dma_start3A_23 = tpu.memref_slice %arg9[%mul3A_22] : memref<8192xf32, #tpu.memory_space<vmem_shared>> -> memref<512xf32, #tpu.memory_space<vmem_shared>>
        tpu.enqueue_dma source(%arg8 : memref<512xf32, #tpu.memory_space<vmem>>) target(%dma_start3A_23 : memref<512xf32, #tpu.memory_space<vmem_shared>>) target_semaphore(%run_scoped3A : memref<!tpu.dma_semaphore, #tpu.memory_space<semaphore_mem>>)
        %dma_wait3A = tpu.memref_slice %arg9[%mul3A_22] : memref<8192xf32, #tpu.memory_space<vmem_shared>> -> memref<512xf32, #tpu.memory_space<vmem_shared>>
        %dma_wait3A_24 = tpu.memref_slice %arg9[%mul3A_22] : memref<8192xf32, #tpu.memory_space<vmem_shared>> -> memref<512xf32, #tpu.memory_space<vmem_shared>>
        tpu.wait_dma2 semaphore(%run_scoped3A : memref<!tpu.dma_semaphore, #tpu.memory_space<semaphore_mem>>) src(%arg8 : memref<512xf32, #tpu.memory_space<vmem>>) dst(%dma_wait3A_24 : memref<512xf32, #tpu.memory_space<vmem_shared>>)
        tpu.yield
      }) : () -> ()
    } else {
    }
    %barrier3A = arith.constant 0 : index
    tpu.barrier barrier_id(%barrier3A)
    %eq3A_2 = arith.constant 0 : i32
    %eq3A_3 = arith.cmpi eq, %arg0, %eq3A_2 : i32
    %lt3A = arith.constant 16 : i32
    %lt3A_4 = arith.cmpi slt, %arg1, %lt3A : i32
    %and3A = arith.andi %eq3A_3, %lt3A_4 : i1
    %convert_element_type3A_5 = arith.extui %and3A : i1 to i32
    %cond3A_6 = arith.constant 0 : i32
    %cond3A_7 = arith.cmpi ne, %convert_element_type3A_5, %cond3A_6 : i32
    scf.if %cond3A_7 {
      %mul3A = arith.constant 32 : i32
      %mul3A_17 = arith.muli %arg1, %mul3A : i32
      "tpu.region"() ({
        %run_scoped3A = tpu.sem_alloc : memref<!tpu.dma_semaphore, #tpu.memory_space<semaphore_mem>>
        %dma_start3A = tpu.memref_slice %arg2[%mul3A_17] : memref<512xi32, #tpu.memory_space<hbm>> -> memref<32xi32, #tpu.memory_space<hbm>>
        %dma_start3A_27 = tpu.memref_slice %arg2[%mul3A_17] : memref<512xi32, #tpu.memory_space<hbm>> -> memref<32xi32, #tpu.memory_space<hbm>>
        tpu.enqueue_dma source(%dma_start3A_27 : memref<32xi32, #tpu.memory_space<hbm>>) target(%arg5 : memref<32xi32, #tpu.memory_space<vmem>>) target_semaphore(%run_scoped3A : memref<!tpu.dma_semaphore, #tpu.memory_space<semaphore_mem>>)
        %dma_wait3A = tpu.memref_slice %arg2[%mul3A_17] : memref<512xi32, #tpu.memory_space<hbm>> -> memref<32xi32, #tpu.memory_space<hbm>>
        %dma_wait3A_28 = tpu.memref_slice %arg2[%mul3A_17] : memref<512xi32, #tpu.memory_space<hbm>> -> memref<32xi32, #tpu.memory_space<hbm>>
        tpu.wait_dma2 semaphore(%run_scoped3A : memref<!tpu.dma_semaphore, #tpu.memory_space<semaphore_mem>>) src(%dma_wait3A_28 : memref<32xi32, #tpu.memory_space<hbm>>) dst(%arg5 : memref<32xi32, #tpu.memory_space<vmem>>)
        tpu.yield
      }) : () -> ()
      "tpu.region"() ({
        %run_scoped3A = tpu.sem_alloc : memref<!tpu.dma_semaphore, #tpu.memory_space<semaphore_mem>>
        %dma_start3A = tpu.memref_slice %arg3[%mul3A_17] : memref<512xf32, #tpu.memory_space<hbm>> -> memref<32xf32, #tpu.memory_space<hbm>>
        %dma_start3A_27 = tpu.memref_slice %arg3[%mul3A_17] : memref<512xf32, #tpu.memory_space<hbm>> -> memref<32xf32, #tpu.memory_space<hbm>>
        tpu.enqueue_dma source(%dma_start3A_27 : memref<32xf32, #tpu.memory_space<hbm>>) target(%arg6 : memref<32xf32, #tpu.memory_space<vmem>>) target_semaphore(%run_scoped3A : memref<!tpu.dma_semaphore, #tpu.memory_space<semaphore_mem>>)
        %dma_wait3A = tpu.memref_slice %arg3[%mul3A_17] : memref<512xf32, #tpu.memory_space<hbm>> -> memref<32xf32, #tpu.memory_space<hbm>>
        %dma_wait3A_28 = tpu.memref_slice %arg3[%mul3A_17] : memref<512xf32, #tpu.memory_space<hbm>> -> memref<32xf32, #tpu.memory_space<hbm>>
        tpu.wait_dma2 semaphore(%run_scoped3A : memref<!tpu.dma_semaphore, #tpu.memory_space<semaphore_mem>>) src(%dma_wait3A_28 : memref<32xf32, #tpu.memory_space<hbm>>) dst(%arg6 : memref<32xf32, #tpu.memory_space<vmem>>)
        tpu.yield
      }) : () -> ()
      %iota3A = tpu.iota {dimensions = array<i32: 0>} : vector<16xi32>
      %ge3A = arith.constant 8 : i32
      %ge3A_18 = vector.broadcast %ge3A : i32 to vector<16xi32>
      %ge3A_19 = arith.cmpi sge, %iota3A, %ge3A_18 : vector<16xi32>
      %jit3A = arith.constant 1 : i32
      %jit3A_20 = arith.constant 0 : i32
      %broadcast_in_dim3A = vector.broadcast %jit3A : i32 to vector<16xi32>
      %broadcast_in_dim3A_21 = vector.broadcast %jit3A_20 : i32 to vector<16xi32>
      %select_n3A = arith.select %ge3A_19, %broadcast_in_dim3A, %broadcast_in_dim3A_21 : vector<16xi1>, vector<16xi32>
      %scan3A = arith.constant 0 : i32
      %scan3A_22 = arith.constant 0 : i32
      %scan3A_23 = arith.constant 2 : i32
      %scan3A_24 = arith.addi %scan3A_22, %scan3A_23 : i32
      %scan3A_25 = arith.constant 1 : i32
      scf.for %scan3A_27 = %scan3A_22 to %scan3A_24 step %scan3A_25  : i32 {
        %mul3A_28 = arith.constant 16 : i32
        %mul3A_29 = arith.muli %scan3A_27, %mul3A_28 : i32
        %get3A = arith.index_cast %mul3A_29 : i32 to index
        %get3A_30 = tpu.vector_load %arg5[%get3A] {strides = array<i32>} : memref<32xi32, #tpu.memory_space<vmem>>, vector<16xi32>,
        %get3A_31 = vector.shape_cast %get3A_30 : vector<16xi32> to vector<16xi32>
        %add3A = arith.addi %mul3A_17, %mul3A_29 : i32
        %jit3A_32 = arith.constant 8 : i32
        %div3A = arith.divsi %add3A, %jit3A_32 : i32
        %sign3A = arith.constant 0 : i32
        %sign3A_33 = arith.cmpi sgt, %add3A, %sign3A : i32
        %sign3A_34 = arith.extui %sign3A_33 : i1 to i32
        %sign3A_35 = arith.constant 0 : i32
        %sign3A_36 = arith.cmpi slt, %add3A, %sign3A_35 : i32
        %sign3A_37 = arith.extui %sign3A_36 : i1 to i32
        %sign3A_38 = arith.subi %sign3A_34, %sign3A_37 : i32
        %sign3A_39 = arith.constant 0 : i32
        %sign3A_40 = arith.cmpi sgt, %jit3A_32, %sign3A_39 : i32
        %sign3A_41 = arith.extui %sign3A_40 : i1 to i32
        %sign3A_42 = arith.constant 0 : i32
        %sign3A_43 = arith.cmpi slt, %jit3A_32, %sign3A_42 : i32
        %sign3A_44 = arith.extui %sign3A_43 : i1 to i32
        %sign3A_45 = arith.subi %sign3A_41, %sign3A_44 : i32
        %ne3A = arith.cmpi ne, %sign3A_38, %sign3A_45 : i32
        %rem3A = arith.remsi %add3A, %jit3A_32 : i32
        %ne3A_46 = arith.constant 0 : i32
        %ne3A_47 = arith.cmpi ne, %rem3A, %ne3A_46 : i32
        %and3A_48 = arith.andi %ne3A, %ne3A_47 : i1
        %sub3A = arith.constant 1 : i32
        %sub3A_49 = arith.subi %div3A, %sub3A : i32
        %select_n3A_50 = arith.select %and3A_48, %sub3A_49, %div3A : i32
        %add3A_51 = vector.broadcast %select_n3A_50 : i32 to vector<16xi32>
        %add3A_52 = arith.addi %add3A_51, %select_n3A : vector<16xi32>
        %mul3A_53 = arith.constant 128 : i32
        %mul3A_54 = vector.broadcast %mul3A_53 : i32 to vector<16xi32>
        %mul3A_55 = arith.muli %get3A_31, %mul3A_54 : vector<16xi32>
        %add3A_56 = arith.addi %mul3A_55, %add3A_52 : vector<16xi32>
        %swap3A = arith.index_cast %mul3A_29 : i32 to index
        %swap3A_57 = tpu.vector_load %arg7[%swap3A] {strides = array<i32>} : memref<32xi32, #tpu.memory_space<vmem>>, vector<16xi32>,
        %swap3A_58 = vector.shape_cast %swap3A_57 : vector<16xi32> to vector<16xi32>
        %swap3A_59 = vector.shape_cast %add3A_56 : vector<16xi32> to vector<16xi32>
        tpu.vector_store %arg7[%swap3A], %swap3A_59 {strides = array<i32>} : memref<32xi32, #tpu.memory_space<vmem>>, vector<16xi32>,
      }
      %scan3A_26 = arith.constant 2 : i32
      "tpu.region"() ({
        %run_scoped3A = tpu.sem_alloc : memref<!tpu.dma_semaphore, #tpu.memory_space<semaphore_mem>>
        %dma_start3A = arith.constant 0 : i32
        %dma_start3A_27 = tpu.memref_slice %arg9[%dma_start3A] : memref<8192xf32, #tpu.memory_space<vmem_shared>> -> memref<8192xf32, #tpu.memory_space<vmem_shared>>
        tpu.enqueue_indirect_dma source(%arg6 : memref<32xf32, #tpu.memory_space<vmem>>) target(%dma_start3A_27 : memref<8192xf32, #tpu.memory_space<vmem_shared>>) offsets(%arg7 : memref<32xi32, #tpu.memory_space<vmem>>) semaphore(%run_scoped3A : memref<!tpu.dma_semaphore, #tpu.memory_space<semaphore_mem>>) {add = true}
        %dma_wait3A = arith.constant 0 : i32
        %dma_wait3A_28 = tpu.memref_slice %arg9[%dma_wait3A] : memref<8192xf32, #tpu.memory_space<vmem_shared>> -> memref<8192xf32, #tpu.memory_space<vmem_shared>>
        tpu.wait_indirect_dma semaphore(%run_scoped3A : memref<!tpu.dma_semaphore, #tpu.memory_space<semaphore_mem>>) src(%arg6 : memref<32xf32, #tpu.memory_space<vmem>>) dst(%dma_wait3A_28 : memref<8192xf32, #tpu.memory_space<vmem_shared>>)
        tpu.yield
      }) : () -> ()
    } else {
    }
    %barrier3A_8 = arith.constant 0 : index
    tpu.barrier barrier_id(%barrier3A_8)
    %eq3A_9 = arith.constant 0 : i32
    %eq3A_10 = arith.cmpi eq, %arg0, %eq3A_9 : i32
    %eq3A_11 = arith.constant 0 : i32
    %eq3A_12 = arith.cmpi eq, %arg1, %eq3A_11 : i32
    %and3A_13 = arith.andi %eq3A_10, %eq3A_12 : i1
    %convert_element_type3A_14 = arith.extui %and3A_13 : i1 to i32
    %cond3A_15 = arith.constant 0 : i32
    %cond3A_16 = arith.cmpi ne, %convert_element_type3A_14, %cond3A_15 : i32
    scf.if %cond3A_16 {
      "tpu.region"() ({
        %run_scoped3A = tpu.sem_alloc : memref<!tpu.dma_semaphore, #tpu.memory_space<semaphore_mem>>
        tpu.enqueue_dma source(%arg9 : memref<8192xf32, #tpu.memory_space<vmem_shared>>) target(%arg4 : memref<8192xf32, #tpu.memory_space<hbm>>) target_semaphore(%run_scoped3A : memref<!tpu.dma_semaphore, #tpu.memory_space<semaphore_mem>>)
        tpu.wait_dma2 semaphore(%run_scoped3A : memref<!tpu.dma_semaphore, #tpu.memory_space<semaphore_mem>>) src(%arg9 : memref<8192xf32, #tpu.memory_space<vmem_shared>>) dst(%arg4 : memref<8192xf32, #tpu.memory_space<hbm>>)
        tpu.yield
      }) : () -> ()
    } else {
    }
    return
  }
}

module attributes {stable_mosaic.version = 14 : i64} {
  func.func @_moe_body(%arg0: i32, %arg1: memref<64x1024xf32, #tpu.memory_space<vmem>>, %arg2: memref<64x64xf32, #tpu.memory_space<vmem>>, %arg3: memref<64x128xf32, #tpu.memory_space<vmem>>, %arg4: memref<1x768x1024xf32, #tpu.memory_space<vmem>>, %arg5: memref<1x768x1024xf32, #tpu.memory_space<vmem>>, %arg6: memref<1x1024x768xf32, #tpu.memory_space<vmem>>, %arg7: memref<64x1024xf32, #tpu.memory_space<vmem>>) attributes {dimension_semantics = [#tpu.dimension_semantics<arbitrary>], iteration_bounds = array<i64: 64>, scalar_prefetch = 0 : i64, scratch_operands = 0 : i64, tpu.core_type = #tpu.core_type<tc>, window_params = [{pipeline_mode = #tpu.pipeline_mode<synchronous>, transform_indices = @transform_0, window_bounds = array<i64: 64, 1024>}, {pipeline_mode = #tpu.pipeline_mode<synchronous>, transform_indices = @transform_1, window_bounds = array<i64: 64, 64>}, {pipeline_mode = #tpu.pipeline_mode<synchronous>, transform_indices = @transform_2, window_bounds = array<i64: 64, 128>}, {transform_indices = @transform_3, window_bounds = array<i64: 1, 768, 1024>}, {transform_indices = @transform_4, window_bounds = array<i64: 1, 768, 1024>}, {transform_indices = @transform_5, window_bounds = array<i64: 1, 1024, 768>}, {pipeline_mode = #tpu.pipeline_mode<synchronous>, transform_indices = @transform_6, window_bounds = array<i64: 64, 1024>}]} {
    %get3A = arith.constant 0 : index
    %get3A_0 = arith.constant 0 : index
    %get3A_1 = vector.load %arg1[%get3A, %get3A_0] : memref<64x1024xf32, #tpu.memory_space<vmem>>, vector<64x1024xf32>
    %get3A_2 = arith.constant 0 : index
    %get3A_3 = arith.constant 0 : index
    %get3A_4 = arith.constant 0 : index
    %get3A_5 = vector.load %arg4[%get3A_2, %get3A_3, %get3A_4] : memref<1x768x1024xf32, #tpu.memory_space<vmem>>, vector<1x768x1024xf32>
    %get3A_6 = vector.shape_cast %get3A_5 : vector<1x768x1024xf32> to vector<768x1024xf32>
    %dot_general3A = arith.constant dense<0.000000e+00> : vector<64x768xf32>
    %dot_general3A_7 = tpu.matmul %get3A_1, %get3A_6, %dot_general3A {dimension_numbers = #tpu.dot_dimension_numbers<[1], [1], [0], [0], [0, 0, 1, 0], [], []>, transpose_lhs_hint = false} : vector<64x1024xf32>, vector<768x1024xf32>, vector<64x768xf32> -> vector<64x768xf32>
    %get3A_8 = arith.constant 0 : index
    %get3A_9 = arith.constant 0 : index
    %get3A_10 = arith.constant 0 : index
    %get3A_11 = vector.load %arg5[%get3A_8, %get3A_9, %get3A_10] : memref<1x768x1024xf32, #tpu.memory_space<vmem>>, vector<1x768x1024xf32>
    %get3A_12 = vector.shape_cast %get3A_11 : vector<1x768x1024xf32> to vector<768x1024xf32>
    %dot_general3A_13 = arith.constant dense<0.000000e+00> : vector<64x768xf32>
    %dot_general3A_14 = tpu.matmul %get3A_1, %get3A_12, %dot_general3A_13 {dimension_numbers = #tpu.dot_dimension_numbers<[1], [1], [0], [0], [0, 0, 1, 0], [], []>, transpose_lhs_hint = false} : vector<64x1024xf32>, vector<768x1024xf32>, vector<64x768xf32> -> vector<64x768xf32>
    %logistic3A = arith.negf %dot_general3A_7 : vector<64x768xf32>
    %logistic3A_15 = math.exp %logistic3A : vector<64x768xf32>
    %logistic3A_16 = arith.constant 1.000000e+00 : f32
    %logistic3A_17 = vector.broadcast %logistic3A_16 : f32 to vector<64x768xf32>
    %logistic3A_18 = arith.addf %logistic3A_17, %logistic3A_15 : vector<64x768xf32>
    %logistic3A_19 = arith.divf %logistic3A_17, %logistic3A_18 : vector<64x768xf32>
    %mul3A = arith.mulf %dot_general3A_7, %logistic3A_19 : vector<64x768xf32>
    %mul3A_20 = arith.mulf %mul3A, %dot_general3A_14 : vector<64x768xf32>
    %get3A_21 = arith.constant 0 : index
    %get3A_22 = arith.constant 0 : index
    %get3A_23 = arith.constant 0 : index
    %get3A_24 = vector.load %arg6[%get3A_21, %get3A_22, %get3A_23] : memref<1x1024x768xf32, #tpu.memory_space<vmem>>, vector<1x1024x768xf32>
    %get3A_25 = vector.shape_cast %get3A_24 : vector<1x1024x768xf32> to vector<1024x768xf32>
    %dot_general3A_26 = arith.constant dense<0.000000e+00> : vector<64x1024xf32>
    %dot_general3A_27 = tpu.matmul %mul3A_20, %get3A_25, %dot_general3A_26 {dimension_numbers = #tpu.dot_dimension_numbers<[1], [1], [0], [0], [0, 0, 1, 0], [], []>, transpose_lhs_hint = false} : vector<64x768xf32>, vector<1024x768xf32>, vector<64x1024xf32> -> vector<64x1024xf32>
    %get3A_28 = arith.index_cast %arg0 : i32 to index
    %get3A_29 = arith.constant 0 : index
    %get3A_30 = vector.load %arg3[%get3A_28, %get3A_29] : memref<64x128xf32, #tpu.memory_space<vmem>>, vector<1x64xf32>
    %get3A_31 = arith.constant 0 : index
    %get3A_32 = arith.constant 0 : index
    %get3A_33 = vector.load %arg2[%get3A_31, %get3A_32] : memref<64x64xf32, #tpu.memory_space<vmem>>, vector<64x64xf32>
    %dot_general3A_34 = arith.constant dense<0.000000e+00> : vector<64x1xf32>
    %dot_general3A_35 = tpu.matmul %get3A_33, %get3A_30, %dot_general3A_34 {dimension_numbers = #tpu.dot_dimension_numbers<[1], [1], [0], [0], [0, 0, 1, 0], [], []>, transpose_lhs_hint = false} : vector<64x64xf32>, vector<1x64xf32>, vector<64x1xf32> -> vector<64x1xf32>
    %mul3A_36 = vector.broadcast %dot_general3A_35 : vector<64x1xf32> to vector<64x1024xf32>
    %mul3A_37 = arith.mulf %mul3A_36, %dot_general3A_27 : vector<64x1024xf32>
    %eq3A = arith.constant 0 : i32
    %eq3A_38 = arith.cmpi eq, %arg0, %eq3A : i32
    %convert_element_type3A = arith.extui %eq3A_38 : i1 to i32
    %cond3A = arith.constant 0 : i32
    %cond3A_39 = arith.cmpi ne, %convert_element_type3A, %cond3A : i32
    scf.if %cond3A_39 {
      %swap3A = arith.constant 0 : index
      %swap3A_44 = arith.constant 0 : index
      %swap3A_45 = vector.load %arg7[%swap3A, %swap3A_44] : memref<64x1024xf32, #tpu.memory_space<vmem>>, vector<64x1024xf32>
      tpu.vector_store %arg7[%swap3A, %swap3A_44], %mul3A_37 {strides = array<i32>} : memref<64x1024xf32, #tpu.memory_space<vmem>>, vector<64x1024xf32>,
    } else {
    }
    %ne3A = arith.constant 0 : i32
    %ne3A_40 = arith.cmpi ne, %arg0, %ne3A : i32
    %convert_element_type3A_41 = arith.extui %ne3A_40 : i1 to i32
    %cond3A_42 = arith.constant 0 : i32
    %cond3A_43 = arith.cmpi ne, %convert_element_type3A_41, %cond3A_42 : i32
    scf.if %cond3A_43 {
      %get3A_44 = arith.constant 0 : index
      %get3A_45 = arith.constant 0 : index
      %get3A_46 = vector.load %arg7[%get3A_44, %get3A_45] : memref<64x1024xf32, #tpu.memory_space<vmem>>, vector<64x1024xf32>
      %add3A = arith.addf %get3A_46, %mul3A_37 : vector<64x1024xf32>
      %swap3A = arith.constant 0 : index
      %swap3A_47 = arith.constant 0 : index
      %swap3A_48 = vector.load %arg7[%swap3A, %swap3A_47] : memref<64x1024xf32, #tpu.memory_space<vmem>>, vector<64x1024xf32>
      tpu.vector_store %arg7[%swap3A, %swap3A_47], %add3A {strides = array<i32>} : memref<64x1024xf32, #tpu.memory_space<vmem>>, vector<64x1024xf32>,
    } else {
    }
    return
  }
  func.func @transform_0(%arg0: i32) -> (i32, i32) {
    %c0_i32 = arith.constant 0 : i32
    %c0_i32_0 = arith.constant 0 : i32
    %c0_i32_1 = arith.constant 0 : i32
    return %c0_i32, %c0_i32_0 : i32, i32
  }
  func.func @transform_1(%arg0: i32) -> (i32, i32) {
    %c0_i32 = arith.constant 0 : i32
    %c0_i32_0 = arith.constant 0 : i32
    %c0_i32_1 = arith.constant 0 : i32
    return %c0_i32, %c0_i32_0 : i32, i32
  }
  func.func @transform_2(%arg0: i32) -> (i32, i32) {
    %c0_i32 = arith.constant 0 : i32
    %c0_i32_0 = arith.constant 0 : i32
    %c0_i32_1 = arith.constant 0 : i32
    return %c0_i32, %c0_i32_0 : i32, i32
  }
  func.func @transform_3(%arg0: i32) -> (i32, i32, i32) {
    %c0_i32 = arith.constant 0 : i32
    %c0_i32_0 = arith.constant 0 : i32
    %c0_i32_1 = arith.constant 0 : i32
    return %arg0, %c0_i32, %c0_i32_0 : i32, i32, i32
  }
  func.func @transform_4(%arg0: i32) -> (i32, i32, i32) {
    %c0_i32 = arith.constant 0 : i32
    %c0_i32_0 = arith.constant 0 : i32
    %c0_i32_1 = arith.constant 0 : i32
    return %arg0, %c0_i32, %c0_i32_0 : i32, i32, i32
  }
  func.func @transform_5(%arg0: i32) -> (i32, i32, i32) {
    %c0_i32 = arith.constant 0 : i32
    %c0_i32_0 = arith.constant 0 : i32
    %c0_i32_1 = arith.constant 0 : i32
    return %arg0, %c0_i32, %c0_i32_0 : i32, i32, i32
  }
  func.func @transform_6(%arg0: i32) -> (i32, i32) {
    %c0_i32 = arith.constant 0 : i32
    %c0_i32_0 = arith.constant 0 : i32
    %c0_i32_1 = arith.constant 0 : i32
    return %c0_i32, %c0_i32_0 : i32, i32
  }
}

</mosaic_0001>

<sc_bundles>
// kernel: kernel.4.cloned.1.call-start
scs
__scs_entry_jumppad:
0x0: {  	(pc) =	sbr.rel $0x88, $3  }
0x1: {  	(tag) =	ssettag $0x0;
	lr =	simm.s32 $0x1  }
0x2: {  	[smem:$0x3F9B] =	sst lr;
	_ =	strace $0xD0000000  }
0x3: {  	_ = 	snop  }
0x4: {  	_ = 	snop  }
0x5: {  	_ = 	snop  }
0x6: {  	_ = 	snop  }
0x7: {  	_ = 	snop  }
__scs_overlays_trampoline_lowered:
0x8: {  	[smem:$0x3FAA] =	sst s0  }
0x9: {  	[smem:$0x3FAB] =	sst s1  }
0xa: {  	[smem:$0x3FAC] =	sst s2  }
0xb: {  	[smem:$0x3FAD] =	sst s3  }
0xc: {  	[smem:$0x3FAE] =	sst s4  }
0xd: {  	[smem:$0x3FAF] =	sst s5  }
0xe: {  	[smem:$0x3FB0] =	sst s6  }
0xf: {  	[smem:$0x3FB1] =	sst s7  }
0x10: {  	[smem:$0x3FB2] =	sst s8  }
0x11: {  	[smem:$0x3FB3] =	sst s9;
	s0 =	simm.s32 @!p0 $0x0  }
0x12: {  	s1 =	sld [smem:$0x3F99];
	s0 =	simm.s32 @p0 $0x1  }
0x13: {  	[smem:$0x3FB4] =	sst s0;
	s0 =	simm.s32 @!p1 $0x0  }
0x14: {  	s2 =	sld [smem:$0x3F98];
	s0 =	simm.s32 @p1 $0x1  }
0x15: {  	[smem:$0x3FB5] =	sst s0;
	s0 =	simm.s32 @!p2 $0x0  }
0x16: {  	s3 =	sld [smem:$0x3FDB];
	s0 =	simm.s32 @p2 $0x1  }
0x17: {  	s4 =	simm.s32 $0x1BF5;
	[smem:$0x3FB7] =	sst s0  }
0x18: {  	s0 =	sld [smem:$0x3F9A];
	_ =	swait.ge [sflag:s4], $0x0  }
0x19: {  	s7 =	sld [smem:$0x3F9B]  }
0x1a: {  	s8 =	sadd.s32 $0xFFFFE003, lr  }
0x1b: {  	s9 =	sadd.s32 $0xFFFFFEF7, lr;
	s5 =	simm.s32 $0xFFFFFFFF;
	p2 =	slt.u32 s8, $0xFFFFF086  }
0x1c: {  	p1 =	slt.u32 s9, $0xF7A;
	s5 =	simm.s32 @!p2 $0x0  }
0x1d: {  	s5 =	simm.s32 @p1 $0x1;
	p0 =	seq.s32 s7, s2  }
0x1e: {  	s7 =	smul.u32 @!p0 $0xF7A, s2;
	p2 =	seq.s32 @!p0 s5, $0x0  }
0x1f: {  	s9 =	smul.u32 $0xF7A, s1;
	s8 =	simm.s32 @!p0 $0x1BF5;
	p2 =	por !p2, p0  }
0x20: {  	[sflag:s8] =	ssyncset.s32 @!p0 $0xFFFFF086;
	s6 =	sadd.s32 @!p0 s3, s7;
	s7 =	simm.s32 @!p0 $0x108  }
0x21: {  	s3 =	sadd.s32 s3, s9;
	s6 =	sadd.s32 @!p0 $0x88, s6;
	s7 =	simm.s32 @p2 $0x1082  }
0x22: {  	[simem:s7], [sflag:s8] =	dma.local @!p0 [hbm:s6], $0xF7A  }
0x23: {  	s9 =	sor.u32 $0xD0000000, s2;
	s6 =	simm.s32 $0x108;
	_ =	swait.ge @!p0 [sflag:s8], $0x0  }
0x24: {  	s3 =	sadd.s32 $0x88, s3;
	s6 =	simm.s32 @!p1 $0x1082;
	[sflag:s4] =	ssyncset.s32 $0xFFFFF086  }
0x25: {  	[simem:s6], [sflag:s4] =	dma.local [hbm:s3], $0xF7A  }
0x26: {  	[smem:$0x3F9B] =	sst s1;
	(tag) =	ssettag s2;
	_ =	strace s9  }
0x27: {  	s1 =	sld [smem:$0x3FAB]  }
0x28: {  	s2 =	sld [smem:$0x3FAC]  }
0x29: {  	s4 =	sld [smem:$0x3FAE]  }
0x2a: {  	p0 =	seq.s32 s5, $0x0;
	s5 =	sld [smem:$0x3FAF]  }
0x2b: {  	s6 =	sld [smem:$0x3FB0]  }
0x2c: {  	s7 =	sld [smem:$0x3FB1]  }
0x2d: {  	s3 =	simm.s32 $0x108;
	s8 =	sld [smem:$0x3FB2]  }
0x2e: {  	s3 =	simm.s32 @!p0 $0x1082;
	s9 =	sld [smem:$0x3FB3]  }
0x2f: {  	lr =	sadd.s32 s0, s3;
	s0 =	sld [smem:$0x3FAA]  }
0x30: {  	s3 =	sld [smem:$0x3FAD]  }
0x31: {  	[smem:$0x3FB6] =	sst s10  }
0x32: {  	s10 =	sld [smem:$0x3FB4];
	_ =	sdelay $0x3  }
0x33: {  	p0 =	seq.s32 s10, $0x1;
	s10 =	sld [smem:$0x3FB6];
	_ =	sdelay $0x3  }
0x34: {  	[smem:$0x3FB6] =	sst s10  }
0x35: {  	s10 =	sld [smem:$0x3FB5];
	_ =	sdelay $0x3  }
0x36: {  	p1 =	seq.s32 s10, $0x1;
	s10 =	sld [smem:$0x3FB6];
	_ =	sdelay $0x3  }
0x37: {  	[smem:$0x3FB6] =	sst s10  }
0x38: {  	s10 =	sld [smem:$0x3FB7]  }
0x39: {  	_ = 	snop;
	(pc) =	sbr.ind lr, $3  }
0x3a: {  	_ = 	snop  }
0x3b: {  	_ = 	snop  }
0x3c: {  	p2 =	seq.s32 s10, $0x1;
	s10 =	sld [smem:$0x3FB6]  }
0x3d: {  	_ =	shalt  }
0x3e: {  	_ =	shalt  }
0x3f: {  	_ =	shalt  }
0x40: {  	_ =	shalt  }
0x41: {  	_ =	shalt  }
0x42: {  	_ =	shalt  }
0x43: {  	_ =	shalt  }
0x44: {  	_ =	shalt  }
0x45: {  	_ =	shalt  }
0x46: {  	_ =	shalt  }
0x47: {  	_ =	shalt  }
0x48: {  	_ =	shalt  }
0x49: {  	_ =	shalt  }
0x4a: {  	_ =	shalt  }
0x4b: {  	_ =	shalt  }
0x4c: {  	_ =	shalt  }
0x4d: {  	_ =	shalt  }
0x4e: {  	_ =	shalt  }
0x4f: {  	_ =	shalt  }
0x50: {  	_ =	shalt  }
0x51: {  	_ =	shalt  }
0x52: {  	_ =	shalt  }
0x53: {  	_ =	shalt  }
0x54: {  	_ =	shalt  }
0x55: {  	_ =	shalt  }
0x56: {  	_ =	shalt  }
0x57: {  	_ =	shalt  }
0x58: {  	_ =	shalt  }
0x59: {  	_ =	shalt  }
0x5a: {  	_ =	shalt  }
0x5b: {  	_ =	shalt  }
0x5c: {  	_ =	shalt  }
0x5d: {  	_ =	shalt  }
0x5e: {  	_ =	shalt  }
0x5f: {  	_ =	shalt  }
0x60: {  	_ =	shalt  }
0x61: {  	_ =	shalt  }
0x62: {  	_ =	shalt  }
0x63: {  	_ =	shalt  }
0x64: {  	_ =	shalt  }
0x65: {  	_ =	shalt  }
0x66: {  	_ =	shalt  }
0x67: {  	_ =	shalt  }
0x68: {  	_ =	shalt  }
0x69: {  	_ =	shalt  }
0x6a: {  	_ =	shalt  }
0x6b: {  	_ =	shalt  }
0x6c: {  	_ =	shalt  }
0x6d: {  	_ =	shalt  }
0x6e: {  	_ =	shalt  }
0x6f: {  	_ =	shalt  }
0x70: {  	_ =	shalt  }
0x71: {  	_ =	shalt  }
0x72: {  	_ =	shalt  }
0x73: {  	_ =	shalt  }
0x74: {  	_ =	shalt  }
0x75: {  	_ =	shalt  }
0x76: {  	_ =	shalt  }
0x77: {  	_ =	shalt  }
0x78: {  	_ =	shalt  }
0x79: {  	_ =	shalt  }
0x7a: {  	_ =	shalt  }
0x7b: {  	_ =	shalt  }
0x7c: {  	_ =	shalt  }
0x7d: {  	_ =	shalt  }
0x7e: {  	_ =	shalt  }
0x7f: {  	_ =	shalt  }
0x80: {  	_ =	shalt  }
0x81: {  	_ =	shalt  }
0x82: {  	_ =	shalt  }
0x83: {  	_ =	shalt  }
0x84: {  	_ =	shalt  }
0x85: {  	_ =	shalt  }
0x86: {  	_ =	shalt  }
0x87: {  	_ =	shalt  }
.Lfunc_end0:
.L_simem_size_0:
called_computation_lowered:
.L_overlay_start_0:
0x88: {  	s0 =	sld [smem:$0x3FD9]  }
0x89: {  	s1 =	sld [smem:$0x3FFE];
	_ =	sdelay $0x3  }
0x8a: {  	s0 =	sadd.s32 s1, s0  }
0x8b: {  	[smem:$0x3FC2] =	sst s0  }
0x8c: {  	_ = 	snop  }
0x8d: {  	s0 =	sld [smem:$0x3FD0];
	(tm) =	ssettm $0x1  }
0x8e: {  	s16 =	sld [smem:$0x3FFB];
	_ =	sdelay $0x3  }
0x8f: {  	_ =	strace s16  }
0x90: {  	s1 =	sld [smem:$0x3FFC];
	_ =	sdelay $0x3  }
0x91: {  	_ =	strace s1  }
0x92: {  	s1 =	sld [smem:$0x3FFD];
	_ =	sdelay $0x3  }
0x93: {  	_ =	strace s1  }
0x94: {  	_ =	strace $0x8FFFFFFF  }
0x95: {  	s17 =	sld [smem:$0x3FDB];
	_ =	sdelay $0x1  }
0x96: {  	s2 =	simm.s32 $_scs_section_size  }
0x97: {  	s3 =	simm.s32 $_size__tile_overlayer_lowered;
	s4 =	simm.s32 $_tile_overlayer_lowered  }
0x98: {  	s20 =	simm.s32 $0x1BFF;
	s19 =	sshll.u32 s4, $0x1;
	s1 =	sadd.s32 s2, s17  }
0x99: {  	s5 =	simm.s32 $0x0;
	s18 =	sshll.u32 s3, $0x1;
	s3 =	sadd.s32 s19, s1  }
0x9a: {  	[timem:s5], [sflag:s20] =	dma.local [hbm:s3], s18  }
0x9b: {  	_ =	swait.ge [sflag:s20], s18  }
0x9c: {  	s2 =	ssub.s32 $0x0, s18;
	[sflag:s20] =	ssyncset.done $0x0  }
0x9d: {  	[sflag:s20] =	ssyncadd.s32 s2;
	_ =	sdelay $0x1  }
0x9e: {  	s21 =	simm.s32 $0x1B8B  }
0x9f: {  	_ =	swait.ge [sflag:s21], $0x1  }
0xa0: {  	[sflag:s21] =	ssyncset.done $0x0  }
0xa1: {  	s23 =	simm.s32 $0x1B8E;
	s22 =	sld [smem:$0x3FFE];
	[sflag:s21] =	ssyncadd.s32 $0xFFFFFFFF  }
0xa2: {  	s24 =	simm.s32 $execute0_lowered;
	[smem:$0x3FD2] =	sst s23  }
0xa3: {  	s3 =	sshll.u32 s24, $0x1;
	_ =	strace $0x80000046;
	[dreg:$0x1] =	wrdreg $0xFFFFFFFF  }
0xa4: {  	s25 =	simm.s32 $_size_execute0_lowered;
	s1 =	sadd.s32 s1, s3;
	[dreg:$0x0] =	wrdreg $0x0  }
0xa5: {  	s3 =	sshll.u32 s25, $0x1;
	[dreg:$0x2] =	wrdreg s1  }
0xa6: {  	[dreg:$0x3] =	wrdreg s3  }
0xa7: {  	[dreg:$0x4] =	wrdreg $0xC0  }
0xa8: {  	_ =	task [dreg:s5], $0x5FFFF  }
0xa9: {  	[dreg:$0x1] =	wrdreg $0xFFFFFFFF  }
0xaa: {  	[dreg:$0x0] =	wrdreg $0x60  }
0xab: {  	[dreg:$0x2] =	wrdreg s22  }
0xac: {  	[dreg:$0x3] =	wrdreg s0  }
0xad: {  	[dreg:$0x4] =	wrdreg $0x3800  }
0xae: {  	[dreg:$0x5] =	wrdreg $0x9  }
0xaf: {  	_ =	task.clear_ibuf [dreg:s5], $0x6FFFF;
	_ =	strace $0x90000046  }
0xb0: {  	s26 =	simm.s32 $0x9;
	_ =	strace $0x80000048  }
0xb1: {  	_ =	swait.ge [sflag:s26], $0x1  }
0xb2: {  	[sflag:s26] =	ssyncadd.s32 $0xFFFFFFFF  }
0xb3: {  	_ =	strace $0x90000048  }
0xb4: {  	_ =	sfence  }
0xb5: {  	s28 =	sld [smem:$0x0];
	_ =	sdelay $0x1  }
0xb6: {  	s29 =	srdreg.scid  }
0xb7: {  	s30 =	sshll.u32 s29, $0xD;
	s31 =	sshrl.u32 s29, $0x2  }
0xb8: {  	s2 =	sand.u32 $0x4000, s30;
	s1 =	sand.u32 $0x1, s29;
	s0 =	sadd.s32 s31, s28  }
0xb9: {  	s1 =	sor.u32 s2, s1;
	s0 =	sshll.u32 s0, $0x11  }
0xba: {  	s0 =	sor.u32 s0, s1  }
0xbb: {  	s0 =	sadd.s32 $0x8F2B, s0  }
0xbc: {  	[sflag:s0] =	ssyncadd.remote.s32 $0x1  }
0xbd: {  	_ =	sfence.sel $0xFFFF  }
0xbe: {  	[dreg:$0x0] =	wrdreg $0xFFFFFFFF;
	(pc) =	sbr.abs _section_cstart, $3  }
0xbf: {  	[dreg:$0x1] =	wrdreg $0xFFFFFFFF  }
0xc0: {  	_ =	task.clear_ibuf [dreg:s5], $0x2FFFF;
	_ =	strace $0x9FFFFFFF  }
0xc1: {  	(tm) =	ssettm $0x7FFFFFFF  }
tec
execute0_lowered:
.L_overlay_start_1:
0x0: {  	(tag) =	ssettag $0x1  }
0x1: {  	s3 =	rddreg [dreg:$0x0]  }
0x2: {  	s1 =	rddreg [dreg:$0x1]  }
0x3: {  	s2 =	rddreg [dreg:$0x2];
	s4 =	simm.s32 $0x0  }
0x4: {  	v0 =	vimm.f32 $0.0e+00;
	[smem:$0x7FF] =	sst s4  }
0x5: {  	s0 =	rddreg [dreg:$0x3];
	_ =	strace $0x80000047;
	[tilespmem:$0x180] =	vst v0  }
0x6: {  	[tilespmem:$0x190] =	vst v0  }
0x7: {  	[tilespmem:$0x1A0] =	vst v0  }
0x8: {  	[tilespmem:$0x1B0] =	vst v0  }
0x9: {  	[tilespmem:$0x1C0] =	vst v0  }
0xa: {  	[tilespmem:$0x1D0] =	vst v0  }
0xb: {  	[tilespmem:$0x1E0] =	vst v0  }
0xc: {  	[tilespmem:$0x1F0] =	vst v0  }
0xd: {  	[tilespmem:$0x200] =	vst v0  }
0xe: {  	[tilespmem:$0x210] =	vst v0  }
0xf: {  	[tilespmem:$0x220] =	vst v0  }
0x10: {  	[tilespmem:$0x230] =	vst v0  }
0x11: {  	[tilespmem:$0x240] =	vst v0  }
0x12: {  	[tilespmem:$0x250] =	vst v0  }
0x13: {  	[tilespmem:$0x260] =	vst v0  }
0x14: {  	[tilespmem:$0x270] =	vst v0  }
0x15: {  	[tilespmem:$0x280] =	vst v0  }
0x16: {  	[tilespmem:$0x290] =	vst v0  }
0x17: {  	[tilespmem:$0x2A0] =	vst v0  }
0x18: {  	[tilespmem:$0x2B0] =	vst v0  }
0x19: {  	[tilespmem:$0x2C0] =	vst v0  }
0x1a: {  	[tilespmem:$0x2D0] =	vst v0  }
0x1b: {  	[tilespmem:$0x2E0] =	vst v0  }
0x1c: {  	[tilespmem:$0x2F0] =	vst v0  }
0x1d: {  	[tilespmem:$0x300] =	vst v0  }
0x1e: {  	[tilespmem:$0x310] =	vst v0  }
0x1f: {  	[tilespmem:$0x320] =	vst v0  }
0x20: {  	[tilespmem:$0x330] =	vst v0  }
0x21: {  	[tilespmem:$0x340] =	vst v0  }
0x22: {  	s5 =	stileid.u32;
	[tilespmem:$0x350] =	vst v0  }
0x23: {  	s6 =	sshll.u32 s5, $0x9;
	[tilespmem:$0x360] =	vst v0  }
0x24: {  	s7 =	simm.s32 $0x180;
	s25 =	simm.s32 $0x1;
	[tilespmem:$0x370] =	vst v0;
	s6 =	sadd.s32 s6, s2  }
0x25: {  	[spmem:s6] =	stream.linear.scatter [tilespmem:s7], [sflag:$0x1], $0x200, $0x38;
	[tilespmem:$0x580] =	vst v63  }
0x26: {  	_ =	swait.ge [sflag:s25], $0x200  }
0x27: {  	s26 =	sshll.u32 s5, $0x2;
	[sflag:s25] =	ssyncset.done $0x0  }
0x28: {  	s3 =	sadd.s32 s26, s3;
	[sflag:s25] =	ssyncadd.s32 $0xFFFFFE00  }
0x29: {  	s8 =	sadd.s32 $0xA00, s3;
	[bflag:$0x0] =	sbarrier.arrive $0xFFFF  }
0x2a: {  	[tilespmem:s4], [sflag:$0x1] =	stream.linear.gather [hbm4b:s8+s4], $0x20, $0x38;
	[tilespmem:$0x580] =	vst v63  }
0x2b: {  	_ =	swait.ge [sflag:s25], $0x20  }
0x2c: {  	[sflag:s25] =	ssyncset.done $0x0  }
0x2d: {  	s28 =	simm.s32 $0x80;
	s3 =	sadd.s32 $0x800, s3;
	[sflag:s25] =	ssyncadd.s32 $0xFFFFFFE0  }
0x2e: {  	[tilespmem:s28], [sflag:$0x1] =	stream.linear.gather [hbm4b:s3+s4], $0x20, $0x38;
	[tilespmem:$0x580] =	vst v63  }
0x2f: {  	_ =	swait.ge [sflag:s25], $0x20  }
0x30: {  	[sflag:s25] =	ssyncset.done $0x0  }
0x31: {  	[sflag:s25] =	ssyncadd.s32 $0xFFFFFFE0  }
0x32: {  	v62 =	vld [tilespmem:$0x0]  }
0x33: {  	v1 =	vld [tilespmem:$0x10];
	_ =	sdelay $0x3  }
0x34: {  	v2 =	vlaneseq.u32;
	v0 =	vshll.u32 v62, $0x7  }
0x35: {  	v2 =	vshrl.u32 v2, $0x3;
	s29 =	sor.u32 $0x2, s26;
	v1 =	vshll.u32 v1, $0x7;
	v0 =	vor.u32 s26, v0  }
0x36: {  	v1 =	vor.u32 s29, v1;
	v0 =	vor.u32 v2, v0  }
0x37: {  	v63 =	vor.u32 v2, v1;
	[tilespmem:$0x100] =	vst v0  }
0x38: {  	s30 =	simm.s32 $0x20;
	s31 =	simm.s32 $0x100;
	[tilespmem:$0x110] =	vst v63  }
0x39: {  	[spmem:s2] =	stream.indirect.scatter.add.f32 [tilespmem:s28], [sflag:$0x1], $0x1, s31, s30, $0xb8;
	[tilespmem:$0x580] =	vst v63  }
0x3a: {  	_ =	swait.ge [sflag:s25], $0x20  }
0x3b: {  	[sflag:s25] =	ssyncset.done $0x0  }
0x3c: {  	[sflag:s25] =	ssyncadd.s32 $0xFFFFFFE0  }
0x3d: {  	p0 =	sne.s32 s5, $0x0;
	[bflag:$0x0] =	sbarrier.arrive $0xFFFF  }
0x3e: {  	_ =	sfence.sel @p0 $0x180000  }
0x3f: {  	[bflag:$0x0] =	sbarrier.arrive @p0 $0xFFFF  }
0x40: {  	_ =	strace @p0 $0x90000047  }
0x41: {  	s3 =	simm.s32 @!p0 $0x1C01;
	s2 =	sshrl.u32 @!p0 s2, $0x3;
	[bflag:$0x2] =	sbarrier.arrive @p0 $0xFFFF  }
0x42: {  	[hbm:s1], [sflag:s3] =	dma.local @!p0 [spmem:s2], $0x400  }
0x43: {  	s1 =	simm.s32 @!p0 $0x1  }
0x44: {  	_ =	swait.ge @!p0 [sflag:s1], $0x400  }
0x45: {  	[sflag:s1] =	ssyncset.done @!p0 $0x0  }
0x46: {  	[sflag:s1] =	ssyncadd.s32 @!p0 $0xFFFFFC00  }
0x47: {  	_ =	sfence.sel @!p0 $0x180000  }
0x48: {  	[bflag:$0x0] =	sbarrier.arrive @!p0 $0xFFFF  }
0x49: {  	_ =	strace @!p0 $0x90000047  }
0x4a: {  	s0 =	sadd.s32 @!p0 $0x100000, s0;
	[bflag:$0x2] =	sbarrier.arrive @!p0 $0xFFFF  }
0x4b: {  	[sflag:s0] =	ssyncadd.tile.s32 @!p0 $0x1;
	_ =	shalt  }
.Lfunc_end2:
_tile_overlayer_lowered:
.L_overlay_start_2:
0x4c: {  	(tag) =	ssettag $0x2  }
0x4d: {  	s0 =	rddreg [dreg:$0x0];
	s2 =	stileid.u32  }
0x4e: {  	s1 =	rddreg [dreg:$0x1];
	p0 =	sne.s32 s2, $0x0  }
0x4f: {  	s3 =	rddreg [dreg:$0x2];
	[bflag:$0x3] =	sbarrier.arrive $0xFFFF;
	s2 =	simm.s32 @!p0 $0x1C01  }
0x50: {  	[timem:s3], [sflag:s2] =	dma.local @!p0 [hbm:s0], s1  }
0x51: {  	s0 =	simm.s32 @!p0 $0x1  }
0x52: {  	_ =	swait.ge @!p0 [sflag:s0], s1  }
0x53: {  	s1 =	ssub.s32 @!p0 $0x0, s1;
	[sflag:s0] =	ssyncset.done @!p0 $0x0  }
0x54: {  	[sflag:s0] =	ssyncadd.s32 @!p0 s1  }
0x55: {  	[bflag:$0x3] =	sbarrier.arrive $0xFFFF  }
0x56: {  	_ =	shalt  }

</sc_bundles>
